<compile_context>
chip_gen: v7x
topology: tpu7x:2x2x1
jax: 0.10.2.dev20260603
libtpu: 0.0.44.dev20260713+nightly
codegen_flags: <defaults>
</compile_context>

<pallas_src>
import jax
import jax.numpy as jnp
from jax import lax
from jax.experimental import pallas as pl
from jax.experimental.pallas import tpu as pltpu
from jax.experimental.pallas import tpu_sc as plsc

NUM_CORES = 2
NUM_SUBCORES = 16
NUM_WORKERS = NUM_CORES * NUM_SUBCORES
CHUNK = 128
NBUF = 5


def _gather_body(idx_hbm, table_hbm, out_hbm, idx_v, *scratch):
    bufs = scratch[:NBUF]
    gsems = scratch[NBUF : 2 * NBUF]
    ssems = scratch[2 * NBUF :]
    wid = lax.axis_index("s") * NUM_CORES + lax.axis_index("c")
    nch = idx_hbm.shape[1]
    base = wid * (nch * CHUNK)
    nrounds = nch // NBUF

    pltpu.sync_copy(idx_hbm.at[wid], idx_v)

    def gather_start(b, c):
        pltpu.async_copy(table_hbm.at[idx_v.at[c]], bufs[b], gsems[b])

    def gather_wait(b, c):
        pltpu.make_async_copy(table_hbm.at[idx_v.at[c]], bufs[b], gsems[b]).wait()

    def out_slice(c):
        return out_hbm.at[pl.ds(base + c * CHUNK, CHUNK)]

    def store_start(b, c):
        pltpu.async_copy(bufs[b], out_slice(c), ssems[b])

    def store_wait(b, c):
        pltpu.make_async_copy(bufs[b], out_slice(c), ssems[b]).wait()

    for b in range(NBUF):
        gather_start(b, b)

    def round_body(r, carry):
        cbase = NBUF * r
        for b in range(NBUF):
            gather_wait(b, cbase + b)
            store_start(b, cbase + b)

        @pl.when(r < nrounds - 1)
        def _prefetch():
            for b in range(NBUF):
                store_wait(b, cbase + b)
                gather_start(b, cbase + NBUF + b)

        return carry

    lax.fori_loop(0, nrounds, round_body, 0)
    for b in range(NBUF):
        store_wait(b, nch - NBUF + b)


def kernel(encoding_indices, table):
    B, S = encoding_indices.shape
    V, D = table.shape
    n = B * S
    nch = n // (NUM_WORKERS * CHUNK)
    idx = encoding_indices.T.reshape(NUM_WORKERS, nch, CHUNK).astype(jnp.int32)
    mesh = plsc.VectorSubcoreMesh(core_axis_name="c", subcore_axis_name="s")
    out = pl.kernel(
        _gather_body,
        out_type=jax.ShapeDtypeStruct((n, D), jnp.float32),
        mesh=mesh,
        compiler_params=pltpu.CompilerParams(use_tc_tiling_on_sc=False),
        scratch_types=(
            [pltpu.VMEM((nch, CHUNK), jnp.int32)]
            + [pltpu.VMEM((CHUNK, D), jnp.float32) for _ in range(NBUF)]
            + [pltpu.SemaphoreType.DMA for _ in range(2 * NBUF)]
        ),
    )(idx, table)
    return out.reshape(S, B, D).transpose(1, 0, 2)

# --- scband reference (transcript-rebuilt; emitter-appended) ---
"""Pipeline reference for scband-decoder-9062380995254 (READ-ONLY COPY).

The authoritative reference and input builder live on the scoring server;
editing this copy changes nothing except your own understanding.
"""

import jax, jax.numpy as jnp
import numpy as np

NUM_EMBEDDINGS = 100000
EMBEDDING_DIM = 128

def setup_inputs(seed: int = 0) -> dict:
    key = jax.random.key(seed)
    k_idx, k_tab = jax.random.split(key)
    encoding_indices = jax.random.randint(k_idx, (4096, 50), 0, NUM_EMBEDDINGS, dtype=jnp.int64 if jax.config.jax_enable_x64 else jnp.int32)
    # Embedding table initialized uniform(-1/num_embeddings, 1/num_embeddings) as in the torch module
    table = jax.random.uniform(k_tab, (NUM_EMBEDDINGS, EMBEDDING_DIM), dtype=jnp.float32,
                               minval=-1.0 / NUM_EMBEDDINGS, maxval=1.0 / NUM_EMBEDDINGS)
    return {"encoding_indices": encoding_indices, "table": table}

def reference(encoding_indices, table):
    # Faithful translation of nn.Embedding lookup: gather rows of the table
    return jnp.take(table, encoding_indices, axis=0)

if __name__ == "__main__":
    import jax
    _d = setup_inputs()
    print(jax.jit(kernel)(*tuple(_d.values())))

</pallas_src>

<mosaic_0001>
#map = affine_map<(d0, d1) -> (0, 0, 0)>
#map1 = affine_map<(d0, d1) -> (0, 0)>
module attributes {stable_mosaic.version = 14 : i64} {
  func.func @_gather_body(%arg0: i32, %arg1: i32, %arg2: memref<32x50x128xi32, #tpu.memory_space<hbm>>, %arg3: memref<100000x128xf32, #tpu.memory_space<hbm>>, %arg4: memref<204800x128xf32, #tpu.memory_space<hbm>>, %arg5: memref<50x128xi32, #tpu.memory_space<vmem>>, %arg6: memref<128x128xf32, #tpu.memory_space<vmem>>, %arg7: memref<128x128xf32, #tpu.memory_space<vmem>>, %arg8: memref<128x128xf32, #tpu.memory_space<vmem>>, %arg9: memref<128x128xf32, #tpu.memory_space<vmem>>, %arg10: memref<128x128xf32, #tpu.memory_space<vmem>>, %arg11: memref<!tpu.dma_semaphore, #tpu.memory_space<semaphore_mem>>, %arg12: memref<!tpu.dma_semaphore, #tpu.memory_space<semaphore_mem>>, %arg13: memref<!tpu.dma_semaphore, #tpu.memory_space<semaphore_mem>>, %arg14: memref<!tpu.dma_semaphore, #tpu.memory_space<semaphore_mem>>, %arg15: memref<!tpu.dma_semaphore, #tpu.memory_space<semaphore_mem>>, %arg16: memref<!tpu.dma_semaphore, #tpu.memory_space<semaphore_mem>>, %arg17: memref<!tpu.dma_semaphore, #tpu.memory_space<semaphore_mem>>, %arg18: memref<!tpu.dma_semaphore, #tpu.memory_space<semaphore_mem>>, %arg19: memref<!tpu.dma_semaphore, #tpu.memory_space<semaphore_mem>>, %arg20: memref<!tpu.dma_semaphore, #tpu.memory_space<semaphore_mem>>) attributes {dimension_semantics = [#tpu.dimension_semantics<core_parallel>, #tpu.dimension_semantics<subcore_parallel>], iteration_bounds = array<i64: 2, 16>, scalar_prefetch = 0 : i64, scratch_operands = 16 : i64, tpu.core_type = #tpu.core_type<sc_vector_subcore>, window_params = [{transform_indices = #map}, {transform_indices = #map1}, {transform_indices = #map1}]} {
    %mul3A = arith.constant 2 : i32
    %mul3A_0 = arith.muli %arg1, %mul3A : i32
    %add3A = arith.addi %mul3A_0, %arg0 : i32
    %mul3A_1 = arith.constant 6400 : i32
    %mul3A_2 = arith.muli %add3A, %mul3A_1 : i32
    "tpu.region"() ({
      %run_scoped3A = tpu.sem_alloc : memref<!tpu.dma_semaphore, #tpu.memory_space<semaphore_mem>>
      %dma_start3A_71 = arith.constant 0 : i32
      %dma_start3A_72 = arith.constant 0 : i32
      %dma_start3A_73 = tpu.memref_slice %arg2[%add3A, %dma_start3A_71, %dma_start3A_72] : memref<32x50x128xi32, #tpu.memory_space<hbm>> -> memref<1x50x128xi32, #tpu.memory_space<hbm>>
      %dma_start3A_74 = tpu.memref_squeeze %dma_start3A_73 : memref<1x50x128xi32, #tpu.memory_space<hbm>> -> memref<50x128xi32, #tpu.memory_space<hbm>>
      %dma_start3A_75 = arith.constant 0 : i32
      %dma_start3A_76 = arith.constant 0 : i32
      %dma_start3A_77 = tpu.memref_slice %arg2[%add3A, %dma_start3A_75, %dma_start3A_76] : memref<32x50x128xi32, #tpu.memory_space<hbm>> -> memref<1x50x128xi32, #tpu.memory_space<hbm>>
      %dma_start3A_78 = tpu.memref_squeeze %dma_start3A_77 : memref<1x50x128xi32, #tpu.memory_space<hbm>> -> memref<50x128xi32, #tpu.memory_space<hbm>>
      tpu.enqueue_dma source(%dma_start3A_78 : memref<50x128xi32, #tpu.memory_space<hbm>>) target(%arg5 : memref<50x128xi32, #tpu.memory_space<vmem>>) target_semaphore(%run_scoped3A : memref<!tpu.dma_semaphore, #tpu.memory_space<semaphore_mem>>)
      %dma_wait3A_79 = arith.constant 0 : i32
      %dma_wait3A_80 = arith.constant 0 : i32
      %dma_wait3A_81 = tpu.memref_slice %arg2[%add3A, %dma_wait3A_79, %dma_wait3A_80] : memref<32x50x128xi32, #tpu.memory_space<hbm>> -> memref<1x50x128xi32, #tpu.memory_space<hbm>>
      %dma_wait3A_82 = tpu.memref_squeeze %dma_wait3A_81 : memref<1x50x128xi32, #tpu.memory_space<hbm>> -> memref<50x128xi32, #tpu.memory_space<hbm>>
      %dma_wait3A_83 = arith.constant 0 : i32
      %dma_wait3A_84 = arith.constant 0 : i32
      %dma_wait3A_85 = tpu.memref_slice %arg2[%add3A, %dma_wait3A_83, %dma_wait3A_84] : memref<32x50x128xi32, #tpu.memory_space<hbm>> -> memref<1x50x128xi32, #tpu.memory_space<hbm>>
      %dma_wait3A_86 = tpu.memref_squeeze %dma_wait3A_85 : memref<1x50x128xi32, #tpu.memory_space<hbm>> -> memref<50x128xi32, #tpu.memory_space<hbm>>
      tpu.wait_dma2 semaphore(%run_scoped3A : memref<!tpu.dma_semaphore, #tpu.memory_space<semaphore_mem>>) src(%dma_wait3A_86 : memref<50x128xi32, #tpu.memory_space<hbm>>) dst(%arg5 : memref<50x128xi32, #tpu.memory_space<vmem>>)
      tpu.yield
    }) : () -> ()
    %dma_start3A = arith.constant 0 : i32
    %dma_start3A_3 = arith.constant 0 : i32
    %dma_start3A_4 = tpu.memref_slice %arg5[%dma_start3A, %dma_start3A_3] : memref<50x128xi32, #tpu.memory_space<vmem>> -> memref<1x128xi32, #tpu.memory_space<vmem>>
    %dma_start3A_5 = tpu.memref_squeeze %dma_start3A_4 : memref<1x128xi32, #tpu.memory_space<vmem>> -> memref<128xi32, #tpu.memory_space<vmem>>
    %dma_start3A_6 = arith.constant 0 : i32
    %dma_start3A_7 = arith.constant 0 : i32
    %dma_start3A_8 = tpu.memref_slice %arg3[%dma_start3A_6, %dma_start3A_7] : memref<100000x128xf32, #tpu.memory_space<hbm>> -> memref<100000x128xf32, #tpu.memory_space<hbm>>
    tpu.enqueue_indirect_dma source(%dma_start3A_8 : memref<100000x128xf32, #tpu.memory_space<hbm>>) target(%arg6 : memref<128x128xf32, #tpu.memory_space<vmem>>) offsets(%dma_start3A_5 : memref<128xi32, #tpu.memory_space<vmem>>) semaphore(%arg11 : memref<!tpu.dma_semaphore, #tpu.memory_space<semaphore_mem>>)
    %dma_start3A_9 = arith.constant 1 : i32
    %dma_start3A_10 = arith.constant 0 : i32
    %dma_start3A_11 = tpu.memref_slice %arg5[%dma_start3A_9, %dma_start3A_10] : memref<50x128xi32, #tpu.memory_space<vmem>> -> memref<1x128xi32, #tpu.memory_space<vmem>>
    %dma_start3A_12 = tpu.memref_squeeze %dma_start3A_11 : memref<1x128xi32, #tpu.memory_space<vmem>> -> memref<128xi32, #tpu.memory_space<vmem>>
    %dma_start3A_13 = arith.constant 0 : i32
    %dma_start3A_14 = arith.constant 0 : i32
    %dma_start3A_15 = tpu.memref_slice %arg3[%dma_start3A_13, %dma_start3A_14] : memref<100000x128xf32, #tpu.memory_space<hbm>> -> memref<100000x128xf32, #tpu.memory_space<hbm>>
    tpu.enqueue_indirect_dma source(%dma_start3A_15 : memref<100000x128xf32, #tpu.memory_space<hbm>>) target(%arg7 : memref<128x128xf32, #tpu.memory_space<vmem>>) offsets(%dma_start3A_12 : memref<128xi32, #tpu.memory_space<vmem>>) semaphore(%arg12 : memref<!tpu.dma_semaphore, #tpu.memory_space<semaphore_mem>>)
    %dma_start3A_16 = arith.constant 2 : i32
    %dma_start3A_17 = arith.constant 0 : i32
    %dma_start3A_18 = tpu.memref_slice %arg5[%dma_start3A_16, %dma_start3A_17] : memref<50x128xi32, #tpu.memory_space<vmem>> -> memref<1x128xi32, #tpu.memory_space<vmem>>
    %dma_start3A_19 = tpu.memref_squeeze %dma_start3A_18 : memref<1x128xi32, #tpu.memory_space<vmem>> -> memref<128xi32, #tpu.memory_space<vmem>>
    %dma_start3A_20 = arith.constant 0 : i32
    %dma_start3A_21 = arith.constant 0 : i32
    %dma_start3A_22 = tpu.memref_slice %arg3[%dma_start3A_20, %dma_start3A_21] : memref<100000x128xf32, #tpu.memory_space<hbm>> -> memref<100000x128xf32, #tpu.memory_space<hbm>>
    tpu.enqueue_indirect_dma source(%dma_start3A_22 : memref<100000x128xf32, #tpu.memory_space<hbm>>) target(%arg8 : memref<128x128xf32, #tpu.memory_space<vmem>>) offsets(%dma_start3A_19 : memref<128xi32, #tpu.memory_space<vmem>>) semaphore(%arg13 : memref<!tpu.dma_semaphore, #tpu.memory_space<semaphore_mem>>)
    %dma_start3A_23 = arith.constant 3 : i32
    %dma_start3A_24 = arith.constant 0 : i32
    %dma_start3A_25 = tpu.memref_slice %arg5[%dma_start3A_23, %dma_start3A_24] : memref<50x128xi32, #tpu.memory_space<vmem>> -> memref<1x128xi32, #tpu.memory_space<vmem>>
    %dma_start3A_26 = tpu.memref_squeeze %dma_start3A_25 : memref<1x128xi32, #tpu.memory_space<vmem>> -> memref<128xi32, #tpu.memory_space<vmem>>
    %dma_start3A_27 = arith.constant 0 : i32
    %dma_start3A_28 = arith.constant 0 : i32
    %dma_start3A_29 = tpu.memref_slice %arg3[%dma_start3A_27, %dma_start3A_28] : memref<100000x128xf32, #tpu.memory_space<hbm>> -> memref<100000x128xf32, #tpu.memory_space<hbm>>
    tpu.enqueue_indirect_dma source(%dma_start3A_29 : memref<100000x128xf32, #tpu.memory_space<hbm>>) target(%arg9 : memref<128x128xf32, #tpu.memory_space<vmem>>) offsets(%dma_start3A_26 : memref<128xi32, #tpu.memory_space<vmem>>) semaphore(%arg14 : memref<!tpu.dma_semaphore, #tpu.memory_space<semaphore_mem>>)
    %dma_start3A_30 = arith.constant 4 : i32
    %dma_start3A_31 = arith.constant 0 : i32
    %dma_start3A_32 = tpu.memref_slice %arg5[%dma_start3A_30, %dma_start3A_31] : memref<50x128xi32, #tpu.memory_space<vmem>> -> memref<1x128xi32, #tpu.memory_space<vmem>>
    %dma_start3A_33 = tpu.memref_squeeze %dma_start3A_32 : memref<1x128xi32, #tpu.memory_space<vmem>> -> memref<128xi32, #tpu.memory_space<vmem>>
    %dma_start3A_34 = arith.constant 0 : i32
    %dma_start3A_35 = arith.constant 0 : i32
    %dma_start3A_36 = tpu.memref_slice %arg3[%dma_start3A_34, %dma_start3A_35] : memref<100000x128xf32, #tpu.memory_space<hbm>> -> memref<100000x128xf32, #tpu.memory_space<hbm>>
    tpu.enqueue_indirect_dma source(%dma_start3A_36 : memref<100000x128xf32, #tpu.memory_space<hbm>>) target(%arg10 : memref<128x128xf32, #tpu.memory_space<vmem>>) offsets(%dma_start3A_33 : memref<128xi32, #tpu.memory_space<vmem>>) semaphore(%arg15 : memref<!tpu.dma_semaphore, #tpu.memory_space<semaphore_mem>>)
    %scan3A = arith.constant 0 : i32
    %scan3A_37 = arith.constant 0 : i32
    %scan3A_38 = arith.constant 10 : i32
    %scan3A_39 = arith.addi %scan3A_37, %scan3A_38 : i32
    %scan3A_40 = arith.constant 1 : i32
    scf.for %scan3A_71 = %scan3A_37 to %scan3A_39 step %scan3A_40  : i32 {
      %mul3A_72 = arith.constant 5 : i32
      %mul3A_73 = arith.muli %mul3A_72, %scan3A_71 : i32
      %add3A_74 = arith.constant 0 : i32
      %add3A_75 = arith.addi %mul3A_73, %add3A_74 : i32
      %dma_wait3A_76 = arith.constant 0 : i32
      %dma_wait3A_77 = tpu.memref_slice %arg5[%add3A_75, %dma_wait3A_76] : memref<50x128xi32, #tpu.memory_space<vmem>> -> memref<1x128xi32, #tpu.memory_space<vmem>>
      %dma_wait3A_78 = tpu.memref_squeeze %dma_wait3A_77 : memref<1x128xi32, #tpu.memory_space<vmem>> -> memref<128xi32, #tpu.memory_space<vmem>>
      %dma_wait3A_79 = arith.constant 0 : i32
      %dma_wait3A_80 = arith.constant 0 : i32
      %dma_wait3A_81 = tpu.memref_slice %arg3[%dma_wait3A_79, %dma_wait3A_80] : memref<100000x128xf32, #tpu.memory_space<hbm>> -> memref<100000x128xf32, #tpu.memory_space<hbm>>
      tpu.wait_indirect_dma semaphore(%arg11 : memref<!tpu.dma_semaphore, #tpu.memory_space<semaphore_mem>>) src(%dma_wait3A_81 : memref<100000x128xf32, #tpu.memory_space<hbm>>) dst(%arg6 : memref<128x128xf32, #tpu.memory_space<vmem>>)
      %add3A_82 = arith.constant 0 : i32
      %add3A_83 = arith.addi %mul3A_73, %add3A_82 : i32
      %mul3A_84 = arith.constant 128 : i32
      %mul3A_85 = arith.muli %add3A_83, %mul3A_84 : i32
      %add3A_86 = arith.addi %mul3A_2, %mul3A_85 : i32
      %dma_start3A_87 = arith.constant 0 : i32
      %dma_start3A_88 = tpu.memref_slice %arg4[%add3A_86, %dma_start3A_87] : memref<204800x128xf32, #tpu.memory_space<hbm>> -> memref<128x128xf32, #tpu.memory_space<hbm>>
      %dma_start3A_89 = arith.constant 0 : i32
      %dma_start3A_90 = tpu.memref_slice %arg4[%add3A_86, %dma_start3A_89] : memref<204800x128xf32, #tpu.memory_space<hbm>> -> memref<128x128xf32, #tpu.memory_space<hbm>>
      tpu.enqueue_dma source(%arg6 : memref<128x128xf32, #tpu.memory_space<vmem>>) target(%dma_start3A_90 : memref<128x128xf32, #tpu.memory_space<hbm>>) target_semaphore(%arg16 : memref<!tpu.dma_semaphore, #tpu.memory_space<semaphore_mem>>)
      %add3A_91 = arith.constant 1 : i32
      %add3A_92 = arith.addi %mul3A_73, %add3A_91 : i32
      %dma_wait3A_93 = arith.constant 0 : i32
      %dma_wait3A_94 = tpu.memref_slice %arg5[%add3A_92, %dma_wait3A_93] : memref<50x128xi32, #tpu.memory_space<vmem>> -> memref<1x128xi32, #tpu.memory_space<vmem>>
      %dma_wait3A_95 = tpu.memref_squeeze %dma_wait3A_94 : memref<1x128xi32, #tpu.memory_space<vmem>> -> memref<128xi32, #tpu.memory_space<vmem>>
      %dma_wait3A_96 = arith.constant 0 : i32
      %dma_wait3A_97 = arith.constant 0 : i32
      %dma_wait3A_98 = tpu.memref_slice %arg3[%dma_wait3A_96, %dma_wait3A_97] : memref<100000x128xf32, #tpu.memory_space<hbm>> -> memref<100000x128xf32, #tpu.memory_space<hbm>>
      tpu.wait_indirect_dma semaphore(%arg12 : memref<!tpu.dma_semaphore, #tpu.memory_space<semaphore_mem>>) src(%dma_wait3A_98 : memref<100000x128xf32, #tpu.memory_space<hbm>>) dst(%arg7 : memref<128x128xf32, #tpu.memory_space<vmem>>)
      %add3A_99 = arith.constant 1 : i32
      %add3A_100 = arith.addi %mul3A_73, %add3A_99 : i32
      %mul3A_101 = arith.constant 128 : i32
      %mul3A_102 = arith.muli %add3A_100, %mul3A_101 : i32
      %add3A_103 = arith.addi %mul3A_2, %mul3A_102 : i32
      %dma_start3A_104 = arith.constant 0 : i32
      %dma_start3A_105 = tpu.memref_slice %arg4[%add3A_103, %dma_start3A_104] : memref<204800x128xf32, #tpu.memory_space<hbm>> -> memref<128x128xf32, #tpu.memory_space<hbm>>
      %dma_start3A_106 = arith.constant 0 : i32
      %dma_start3A_107 = tpu.memref_slice %arg4[%add3A_103, %dma_start3A_106] : memref<204800x128xf32, #tpu.memory_space<hbm>> -> memref<128x128xf32, #tpu.memory_space<hbm>>
      tpu.enqueue_dma source(%arg7 : memref<128x128xf32, #tpu.memory_space<vmem>>) target(%dma_start3A_107 : memref<128x128xf32, #tpu.memory_space<hbm>>) target_semaphore(%arg17 : memref<!tpu.dma_semaphore, #tpu.memory_space<semaphore_mem>>)
      %add3A_108 = arith.constant 2 : i32
      %add3A_109 = arith.addi %mul3A_73, %add3A_108 : i32
      %dma_wait3A_110 = arith.constant 0 : i32
      %dma_wait3A_111 = tpu.memref_slice %arg5[%add3A_109, %dma_wait3A_110] : memref<50x128xi32, #tpu.memory_space<vmem>> -> memref<1x128xi32, #tpu.memory_space<vmem>>
      %dma_wait3A_112 = tpu.memref_squeeze %dma_wait3A_111 : memref<1x128xi32, #tpu.memory_space<vmem>> -> memref<128xi32, #tpu.memory_space<vmem>>
      %dma_wait3A_113 = arith.constant 0 : i32
      %dma_wait3A_114 = arith.constant 0 : i32
      %dma_wait3A_115 = tpu.memref_slice %arg3[%dma_wait3A_113, %dma_wait3A_114] : memref<100000x128xf32, #tpu.memory_space<hbm>> -> memref<100000x128xf32, #tpu.memory_space<hbm>>
      tpu.wait_indirect_dma semaphore(%arg13 : memref<!tpu.dma_semaphore, #tpu.memory_space<semaphore_mem>>) src(%dma_wait3A_115 : memref<100000x128xf32, #tpu.memory_space<hbm>>) dst(%arg8 : memref<128x128xf32, #tpu.memory_space<vmem>>)
      %add3A_116 = arith.constant 2 : i32
      %add3A_117 = arith.addi %mul3A_73, %add3A_116 : i32
      %mul3A_118 = arith.constant 128 : i32
      %mul3A_119 = arith.muli %add3A_117, %mul3A_118 : i32
      %add3A_120 = arith.addi %mul3A_2, %mul3A_119 : i32
      %dma_start3A_121 = arith.constant 0 : i32
      %dma_start3A_122 = tpu.memref_slice %arg4[%add3A_120, %dma_start3A_121] : memref<204800x128xf32, #tpu.memory_space<hbm>> -> memref<128x128xf32, #tpu.memory_space<hbm>>
      %dma_start3A_123 = arith.constant 0 : i32
      %dma_start3A_124 = tpu.memref_slice %arg4[%add3A_120, %dma_start3A_123] : memref<204800x128xf32, #tpu.memory_space<hbm>> -> memref<128x128xf32, #tpu.memory_space<hbm>>
      tpu.enqueue_dma source(%arg8 : memref<128x128xf32, #tpu.memory_space<vmem>>) target(%dma_start3A_124 : memref<128x128xf32, #tpu.memory_space<hbm>>) target_semaphore(%arg18 : memref<!tpu.dma_semaphore, #tpu.memory_space<semaphore_mem>>)
      %add3A_125 = arith.constant 3 : i32
      %add3A_126 = arith.addi %mul3A_73, %add3A_125 : i32
      %dma_wait3A_127 = arith.constant 0 : i32
      %dma_wait3A_128 = tpu.memref_slice %arg5[%add3A_126, %dma_wait3A_127] : memref<50x128xi32, #tpu.memory_space<vmem>> -> memref<1x128xi32, #tpu.memory_space<vmem>>
      %dma_wait3A_129 = tpu.memref_squeeze %dma_wait3A_128 : memref<1x128xi32, #tpu.memory_space<vmem>> -> memref<128xi32, #tpu.memory_space<vmem>>
      %dma_wait3A_130 = arith.constant 0 : i32
      %dma_wait3A_131 = arith.constant 0 : i32
      %dma_wait3A_132 = tpu.memref_slice %arg3[%dma_wait3A_130, %dma_wait3A_131] : memref<100000x128xf32, #tpu.memory_space<hbm>> -> memref<100000x128xf32, #tpu.memory_space<hbm>>
      tpu.wait_indirect_dma semaphore(%arg14 : memref<!tpu.dma_semaphore, #tpu.memory_space<semaphore_mem>>) src(%dma_wait3A_132 : memref<100000x128xf32, #tpu.memory_space<hbm>>) dst(%arg9 : memref<128x128xf32, #tpu.memory_space<vmem>>)
      %add3A_133 = arith.constant 3 : i32
      %add3A_134 = arith.addi %mul3A_73, %add3A_133 : i32
      %mul3A_135 = arith.constant 128 : i32
      %mul3A_136 = arith.muli %add3A_134, %mul3A_135 : i32
      %add3A_137 = arith.addi %mul3A_2, %mul3A_136 : i32
      %dma_start3A_138 = arith.constant 0 : i32
      %dma_start3A_139 = tpu.memref_slice %arg4[%add3A_137, %dma_start3A_138] : memref<204800x128xf32, #tpu.memory_space<hbm>> -> memref<128x128xf32, #tpu.memory_space<hbm>>
      %dma_start3A_140 = arith.constant 0 : i32
      %dma_start3A_141 = tpu.memref_slice %arg4[%add3A_137, %dma_start3A_140] : memref<204800x128xf32, #tpu.memory_space<hbm>> -> memref<128x128xf32, #tpu.memory_space<hbm>>
      tpu.enqueue_dma source(%arg9 : memref<128x128xf32, #tpu.memory_space<vmem>>) target(%dma_start3A_141 : memref<128x128xf32, #tpu.memory_space<hbm>>) target_semaphore(%arg19 : memref<!tpu.dma_semaphore, #tpu.memory_space<semaphore_mem>>)
      %add3A_142 = arith.constant 4 : i32
      %add3A_143 = arith.addi %mul3A_73, %add3A_142 : i32
      %dma_wait3A_144 = arith.constant 0 : i32
      %dma_wait3A_145 = tpu.memref_slice %arg5[%add3A_143, %dma_wait3A_144] : memref<50x128xi32, #tpu.memory_space<vmem>> -> memref<1x128xi32, #tpu.memory_space<vmem>>
      %dma_wait3A_146 = tpu.memref_squeeze %dma_wait3A_145 : memref<1x128xi32, #tpu.memory_space<vmem>> -> memref<128xi32, #tpu.memory_space<vmem>>
      %dma_wait3A_147 = arith.constant 0 : i32
      %dma_wait3A_148 = arith.constant 0 : i32
      %dma_wait3A_149 = tpu.memref_slice %arg3[%dma_wait3A_147, %dma_wait3A_148] : memref<100000x128xf32, #tpu.memory_space<hbm>> -> memref<100000x128xf32, #tpu.memory_space<hbm>>
      tpu.wait_indirect_dma semaphore(%arg15 : memref<!tpu.dma_semaphore, #tpu.memory_space<semaphore_mem>>) src(%dma_wait3A_149 : memref<100000x128xf32, #tpu.memory_space<hbm>>) dst(%arg10 : memref<128x128xf32, #tpu.memory_space<vmem>>)
      %add3A_150 = arith.constant 4 : i32
      %add3A_151 = arith.addi %mul3A_73, %add3A_150 : i32
      %mul3A_152 = arith.constant 128 : i32
      %mul3A_153 = arith.muli %add3A_151, %mul3A_152 : i32
      %add3A_154 = arith.addi %mul3A_2, %mul3A_153 : i32
      %dma_start3A_155 = arith.constant 0 : i32
      %dma_start3A_156 = tpu.memref_slice %arg4[%add3A_154, %dma_start3A_155] : memref<204800x128xf32, #tpu.memory_space<hbm>> -> memref<128x128xf32, #tpu.memory_space<hbm>>
      %dma_start3A_157 = arith.constant 0 : i32
      %dma_start3A_158 = tpu.memref_slice %arg4[%add3A_154, %dma_start3A_157] : memref<204800x128xf32, #tpu.memory_space<hbm>> -> memref<128x128xf32, #tpu.memory_space<hbm>>
      tpu.enqueue_dma source(%arg10 : memref<128x128xf32, #tpu.memory_space<vmem>>) target(%dma_start3A_158 : memref<128x128xf32, #tpu.memory_space<hbm>>) target_semaphore(%arg20 : memref<!tpu.dma_semaphore, #tpu.memory_space<semaphore_mem>>)
      %lt3A = arith.constant 9 : i32
      %lt3A_159 = arith.cmpi slt, %scan3A_71, %lt3A : i32
      %convert_element_type3A = arith.extui %lt3A_159 : i1 to i32
      %cond3A = arith.constant 0 : i32
      %cond3A_160 = arith.cmpi ne, %convert_element_type3A, %cond3A : i32
      scf.if %cond3A_160 {
        %add3A_161 = arith.constant 0 : i32
        %add3A_162 = arith.addi %mul3A_73, %add3A_161 : i32
        %mul3A_163 = arith.constant 128 : i32
        %mul3A_164 = arith.muli %add3A_162, %mul3A_163 : i32
        %add3A_165 = arith.addi %mul3A_2, %mul3A_164 : i32
        %dma_wait3A_166 = arith.constant 0 : i32
        %dma_wait3A_167 = tpu.memref_slice %arg4[%add3A_165, %dma_wait3A_166] : memref<204800x128xf32, #tpu.memory_space<hbm>> -> memref<128x128xf32, #tpu.memory_space<hbm>>
        %dma_wait3A_168 = arith.constant 0 : i32
        %dma_wait3A_169 = tpu.memref_slice %arg4[%add3A_165, %dma_wait3A_168] : memref<204800x128xf32, #tpu.memory_space<hbm>> -> memref<128x128xf32, #tpu.memory_space<hbm>>
        tpu.wait_dma2 semaphore(%arg16 : memref<!tpu.dma_semaphore, #tpu.memory_space<semaphore_mem>>) src(%arg6 : memref<128x128xf32, #tpu.memory_space<vmem>>) dst(%dma_wait3A_169 : memref<128x128xf32, #tpu.memory_space<hbm>>)
        %add3A_170 = arith.constant 5 : i32
        %add3A_171 = arith.addi %mul3A_73, %add3A_170 : i32
        %add3A_172 = arith.constant 0 : i32
        %add3A_173 = arith.addi %add3A_171, %add3A_172 : i32
        %dma_start3A_174 = arith.constant 0 : i32
        %dma_start3A_175 = tpu.memref_slice %arg5[%add3A_173, %dma_start3A_174] : memref<50x128xi32, #tpu.memory_space<vmem>> -> memref<1x128xi32, #tpu.memory_space<vmem>>
        %dma_start3A_176 = tpu.memref_squeeze %dma_start3A_175 : memref<1x128xi32, #tpu.memory_space<vmem>> -> memref<128xi32, #tpu.memory_space<vmem>>
        %dma_start3A_177 = arith.constant 0 : i32
        %dma_start3A_178 = arith.constant 0 : i32
        %dma_start3A_179 = tpu.memref_slice %arg3[%dma_start3A_177, %dma_start3A_178] : memref<100000x128xf32, #tpu.memory_space<hbm>> -> memref<100000x128xf32, #tpu.memory_space<hbm>>
        tpu.enqueue_indirect_dma source(%dma_start3A_179 : memref<100000x128xf32, #tpu.memory_space<hbm>>) target(%arg6 : memref<128x128xf32, #tpu.memory_space<vmem>>) offsets(%dma_start3A_176 : memref<128xi32, #tpu.memory_space<vmem>>) semaphore(%arg11 : memref<!tpu.dma_semaphore, #tpu.memory_space<semaphore_mem>>)
        %add3A_180 = arith.constant 1 : i32
        %add3A_181 = arith.addi %mul3A_73, %add3A_180 : i32
        %mul3A_182 = arith.constant 128 : i32
        %mul3A_183 = arith.muli %add3A_181, %mul3A_182 : i32
        %add3A_184 = arith.addi %mul3A_2, %mul3A_183 : i32
        %dma_wait3A_185 = arith.constant 0 : i32
        %dma_wait3A_186 = tpu.memref_slice %arg4[%add3A_184, %dma_wait3A_185] : memref<204800x128xf32, #tpu.memory_space<hbm>> -> memref<128x128xf32, #tpu.memory_space<hbm>>
        %dma_wait3A_187 = arith.constant 0 : i32
        %dma_wait3A_188 = tpu.memref_slice %arg4[%add3A_184, %dma_wait3A_187] : memref<204800x128xf32, #tpu.memory_space<hbm>> -> memref<128x128xf32, #tpu.memory_space<hbm>>
        tpu.wait_dma2 semaphore(%arg17 : memref<!tpu.dma_semaphore, #tpu.memory_space<semaphore_mem>>) src(%arg7 : memref<128x128xf32, #tpu.memory_space<vmem>>) dst(%dma_wait3A_188 : memref<128x128xf32, #tpu.memory_space<hbm>>)
        %add3A_189 = arith.constant 5 : i32
        %add3A_190 = arith.addi %mul3A_73, %add3A_189 : i32
        %add3A_191 = arith.constant 1 : i32
        %add3A_192 = arith.addi %add3A_190, %add3A_191 : i32
        %dma_start3A_193 = arith.constant 0 : i32
        %dma_start3A_194 = tpu.memref_slice %arg5[%add3A_192, %dma_start3A_193] : memref<50x128xi32, #tpu.memory_space<vmem>> -> memref<1x128xi32, #tpu.memory_space<vmem>>
        %dma_start3A_195 = tpu.memref_squeeze %dma_start3A_194 : memref<1x128xi32, #tpu.memory_space<vmem>> -> memref<128xi32, #tpu.memory_space<vmem>>
        %dma_start3A_196 = arith.constant 0 : i32
        %dma_start3A_197 = arith.constant 0 : i32
        %dma_start3A_198 = tpu.memref_slice %arg3[%dma_start3A_196, %dma_start3A_197] : memref<100000x128xf32, #tpu.memory_space<hbm>> -> memref<100000x128xf32, #tpu.memory_space<hbm>>
        tpu.enqueue_indirect_dma source(%dma_start3A_198 : memref<100000x128xf32, #tpu.memory_space<hbm>>) target(%arg7 : memref<128x128xf32, #tpu.memory_space<vmem>>) offsets(%dma_start3A_195 : memref<128xi32, #tpu.memory_space<vmem>>) semaphore(%arg12 : memref<!tpu.dma_semaphore, #tpu.memory_space<semaphore_mem>>)
        %add3A_199 = arith.constant 2 : i32
        %add3A_200 = arith.addi %mul3A_73, %add3A_199 : i32
        %mul3A_201 = arith.constant 128 : i32
        %mul3A_202 = arith.muli %add3A_200, %mul3A_201 : i32
        %add3A_203 = arith.addi %mul3A_2, %mul3A_202 : i32
        %dma_wait3A_204 = arith.constant 0 : i32
        %dma_wait3A_205 = tpu.memref_slice %arg4[%add3A_203, %dma_wait3A_204] : memref<204800x128xf32, #tpu.memory_space<hbm>> -> memref<128x128xf32, #tpu.memory_space<hbm>>
        %dma_wait3A_206 = arith.constant 0 : i32
        %dma_wait3A_207 = tpu.memref_slice %arg4[%add3A_203, %dma_wait3A_206] : memref<204800x128xf32, #tpu.memory_space<hbm>> -> memref<128x128xf32, #tpu.memory_space<hbm>>
        tpu.wait_dma2 semaphore(%arg18 : memref<!tpu.dma_semaphore, #tpu.memory_space<semaphore_mem>>) src(%arg8 : memref<128x128xf32, #tpu.memory_space<vmem>>) dst(%dma_wait3A_207 : memref<128x128xf32, #tpu.memory_space<hbm>>)
        %add3A_208 = arith.constant 5 : i32
        %add3A_209 = arith.addi %mul3A_73, %add3A_208 : i32
        %add3A_210 = arith.constant 2 : i32
        %add3A_211 = arith.addi %add3A_209, %add3A_210 : i32
        %dma_start3A_212 = arith.constant 0 : i32
        %dma_start3A_213 = tpu.memref_slice %arg5[%add3A_211, %dma_start3A_212] : memref<50x128xi32, #tpu.memory_space<vmem>> -> memref<1x128xi32, #tpu.memory_space<vmem>>
        %dma_start3A_214 = tpu.memref_squeeze %dma_start3A_213 : memref<1x128xi32, #tpu.memory_space<vmem>> -> memref<128xi32, #tpu.memory_space<vmem>>
        %dma_start3A_215 = arith.constant 0 : i32
        %dma_start3A_216 = arith.constant 0 : i32
        %dma_start3A_217 = tpu.memref_slice %arg3[%dma_start3A_215, %dma_start3A_216] : memref<100000x128xf32, #tpu.memory_space<hbm>> -> memref<100000x128xf32, #tpu.memory_space<hbm>>
        tpu.enqueue_indirect_dma source(%dma_start3A_217 : memref<100000x128xf32, #tpu.memory_space<hbm>>) target(%arg8 : memref<128x128xf32, #tpu.memory_space<vmem>>) offsets(%dma_start3A_214 : memref<128xi32, #tpu.memory_space<vmem>>) semaphore(%arg13 : memref<!tpu.dma_semaphore, #tpu.memory_space<semaphore_mem>>)
        %add3A_218 = arith.constant 3 : i32
        %add3A_219 = arith.addi %mul3A_73, %add3A_218 : i32
        %mul3A_220 = arith.constant 128 : i32
        %mul3A_221 = arith.muli %add3A_219, %mul3A_220 : i32
        %add3A_222 = arith.addi %mul3A_2, %mul3A_221 : i32
        %dma_wait3A_223 = arith.constant 0 : i32
        %dma_wait3A_224 = tpu.memref_slice %arg4[%add3A_222, %dma_wait3A_223] : memref<204800x128xf32, #tpu.memory_space<hbm>> -> memref<128x128xf32, #tpu.memory_space<hbm>>
        %dma_wait3A_225 = arith.constant 0 : i32
        %dma_wait3A_226 = tpu.memref_slice %arg4[%add3A_222, %dma_wait3A_225] : memref<204800x128xf32, #tpu.memory_space<hbm>> -> memref<128x128xf32, #tpu.memory_space<hbm>>
        tpu.wait_dma2 semaphore(%arg19 : memref<!tpu.dma_semaphore, #tpu.memory_space<semaphore_mem>>) src(%arg9 : memref<128x128xf32, #tpu.memory_space<vmem>>) dst(%dma_wait3A_226 : memref<128x128xf32, #tpu.memory_space<hbm>>)
        %add3A_227 = arith.constant 5 : i32
        %add3A_228 = arith.addi %mul3A_73, %add3A_227 : i32
        %add3A_229 = arith.constant 3 : i32
        %add3A_230 = arith.addi %add3A_228, %add3A_229 : i32
        %dma_start3A_231 = arith.constant 0 : i32
        %dma_start3A_232 = tpu.memref_slice %arg5[%add3A_230, %dma_start3A_231] : memref<50x128xi32, #tpu.memory_space<vmem>> -> memref<1x128xi32, #tpu.memory_space<vmem>>
        %dma_start3A_233 = tpu.memref_squeeze %dma_start3A_232 : memref<1x128xi32, #tpu.memory_space<vmem>> -> memref<128xi32, #tpu.memory_space<vmem>>
        %dma_start3A_234 = arith.constant 0 : i32
        %dma_start3A_235 = arith.constant 0 : i32
        %dma_start3A_236 = tpu.memref_slice %arg3[%dma_start3A_234, %dma_start3A_235] : memref<100000x128xf32, #tpu.memory_space<hbm>> -> memref<100000x128xf32, #tpu.memory_space<hbm>>
        tpu.enqueue_indirect_dma source(%dma_start3A_236 : memref<100000x128xf32, #tpu.memory_space<hbm>>) target(%arg9 : memref<128x128xf32, #tpu.memory_space<vmem>>) offsets(%dma_start3A_233 : memref<128xi32, #tpu.memory_space<vmem>>) semaphore(%arg14 : memref<!tpu.dma_semaphore, #tpu.memory_space<semaphore_mem>>)
        %add3A_237 = arith.constant 4 : i32
        %add3A_238 = arith.addi %mul3A_73, %add3A_237 : i32
        %mul3A_239 = arith.constant 128 : i32
        %mul3A_240 = arith.muli %add3A_238, %mul3A_239 : i32
        %add3A_241 = arith.addi %mul3A_2, %mul3A_240 : i32
        %dma_wait3A_242 = arith.constant 0 : i32
        %dma_wait3A_243 = tpu.memref_slice %arg4[%add3A_241, %dma_wait3A_242] : memref<204800x128xf32, #tpu.memory_space<hbm>> -> memref<128x128xf32, #tpu.memory_space<hbm>>
        %dma_wait3A_244 = arith.constant 0 : i32
        %dma_wait3A_245 = tpu.memref_slice %arg4[%add3A_241, %dma_wait3A_244] : memref<204800x128xf32, #tpu.memory_space<hbm>> -> memref<128x128xf32, #tpu.memory_space<hbm>>
        tpu.wait_dma2 semaphore(%arg20 : memref<!tpu.dma_semaphore, #tpu.memory_space<semaphore_mem>>) src(%arg10 : memref<128x128xf32, #tpu.memory_space<vmem>>) dst(%dma_wait3A_245 : memref<128x128xf32, #tpu.memory_space<hbm>>)
        %add3A_246 = arith.constant 5 : i32
        %add3A_247 = arith.addi %mul3A_73, %add3A_246 : i32
        %add3A_248 = arith.constant 4 : i32
        %add3A_249 = arith.addi %add3A_247, %add3A_248 : i32
        %dma_start3A_250 = arith.constant 0 : i32
        %dma_start3A_251 = tpu.memref_slice %arg5[%add3A_249, %dma_start3A_250] : memref<50x128xi32, #tpu.memory_space<vmem>> -> memref<1x128xi32, #tpu.memory_space<vmem>>
        %dma_start3A_252 = tpu.memref_squeeze %dma_start3A_251 : memref<1x128xi32, #tpu.memory_space<vmem>> -> memref<128xi32, #tpu.memory_space<vmem>>
        %dma_start3A_253 = arith.constant 0 : i32
        %dma_start3A_254 = arith.constant 0 : i32
        %dma_start3A_255 = tpu.memref_slice %arg3[%dma_start3A_253, %dma_start3A_254] : memref<100000x128xf32, #tpu.memory_space<hbm>> -> memref<100000x128xf32, #tpu.memory_space<hbm>>
        tpu.enqueue_indirect_dma source(%dma_start3A_255 : memref<100000x128xf32, #tpu.memory_space<hbm>>) target(%arg10 : memref<128x128xf32, #tpu.memory_space<vmem>>) offsets(%dma_start3A_252 : memref<128xi32, #tpu.memory_space<vmem>>) semaphore(%arg15 : memref<!tpu.dma_semaphore, #tpu.memory_space<semaphore_mem>>)
      } else {
      }
    }
    %scan3A_41 = arith.constant 10 : i32
    %add3A_42 = arith.constant 5760 : i32
    %add3A_43 = arith.addi %mul3A_2, %add3A_42 : i32
    %dma_wait3A = arith.constant 0 : i32
    %dma_wait3A_44 = tpu.memref_slice %arg4[%add3A_43, %dma_wait3A] : memref<204800x128xf32, #tpu.memory_space<hbm>> -> memref<128x128xf32, #tpu.memory_space<hbm>>
    %dma_wait3A_45 = arith.constant 0 : i32
    %dma_wait3A_46 = tpu.memref_slice %arg4[%add3A_43, %dma_wait3A_45] : memref<204800x128xf32, #tpu.memory_space<hbm>> -> memref<128x128xf32, #tpu.memory_space<hbm>>
    tpu.wait_dma2 semaphore(%arg16 : memref<!tpu.dma_semaphore, #tpu.memory_space<semaphore_mem>>) src(%arg6 : memref<128x128xf32, #tpu.memory_space<vmem>>) dst(%dma_wait3A_46 : memref<128x128xf32, #tpu.memory_space<hbm>>)
    %add3A_47 = arith.constant 5888 : i32
    %add3A_48 = arith.addi %mul3A_2, %add3A_47 : i32
    %dma_wait3A_49 = arith.constant 0 : i32
    %dma_wait3A_50 = tpu.memref_slice %arg4[%add3A_48, %dma_wait3A_49] : memref<204800x128xf32, #tpu.memory_space<hbm>> -> memref<128x128xf32, #tpu.memory_space<hbm>>
    %dma_wait3A_51 = arith.constant 0 : i32
    %dma_wait3A_52 = tpu.memref_slice %arg4[%add3A_48, %dma_wait3A_51] : memref<204800x128xf32, #tpu.memory_space<hbm>> -> memref<128x128xf32, #tpu.memory_space<hbm>>
    tpu.wait_dma2 semaphore(%arg17 : memref<!tpu.dma_semaphore, #tpu.memory_space<semaphore_mem>>) src(%arg7 : memref<128x128xf32, #tpu.memory_space<vmem>>) dst(%dma_wait3A_52 : memref<128x128xf32, #tpu.memory_space<hbm>>)
    %add3A_53 = arith.constant 6016 : i32
    %add3A_54 = arith.addi %mul3A_2, %add3A_53 : i32
    %dma_wait3A_55 = arith.constant 0 : i32
    %dma_wait3A_56 = tpu.memref_slice %arg4[%add3A_54, %dma_wait3A_55] : memref<204800x128xf32, #tpu.memory_space<hbm>> -> memref<128x128xf32, #tpu.memory_space<hbm>>
    %dma_wait3A_57 = arith.constant 0 : i32
    %dma_wait3A_58 = tpu.memref_slice %arg4[%add3A_54, %dma_wait3A_57] : memref<204800x128xf32, #tpu.memory_space<hbm>> -> memref<128x128xf32, #tpu.memory_space<hbm>>
    tpu.wait_dma2 semaphore(%arg18 : memref<!tpu.dma_semaphore, #tpu.memory_space<semaphore_mem>>) src(%arg8 : memref<128x128xf32, #tpu.memory_space<vmem>>) dst(%dma_wait3A_58 : memref<128x128xf32, #tpu.memory_space<hbm>>)
    %add3A_59 = arith.constant 6144 : i32
    %add3A_60 = arith.addi %mul3A_2, %add3A_59 : i32
    %dma_wait3A_61 = arith.constant 0 : i32
    %dma_wait3A_62 = tpu.memref_slice %arg4[%add3A_60, %dma_wait3A_61] : memref<204800x128xf32, #tpu.memory_space<hbm>> -> memref<128x128xf32, #tpu.memory_space<hbm>>
    %dma_wait3A_63 = arith.constant 0 : i32
    %dma_wait3A_64 = tpu.memref_slice %arg4[%add3A_60, %dma_wait3A_63] : memref<204800x128xf32, #tpu.memory_space<hbm>> -> memref<128x128xf32, #tpu.memory_space<hbm>>
    tpu.wait_dma2 semaphore(%arg19 : memref<!tpu.dma_semaphore, #tpu.memory_space<semaphore_mem>>) src(%arg9 : memref<128x128xf32, #tpu.memory_space<vmem>>) dst(%dma_wait3A_64 : memref<128x128xf32, #tpu.memory_space<hbm>>)
    %add3A_65 = arith.constant 6272 : i32
    %add3A_66 = arith.addi %mul3A_2, %add3A_65 : i32
    %dma_wait3A_67 = arith.constant 0 : i32
    %dma_wait3A_68 = tpu.memref_slice %arg4[%add3A_66, %dma_wait3A_67] : memref<204800x128xf32, #tpu.memory_space<hbm>> -> memref<128x128xf32, #tpu.memory_space<hbm>>
    %dma_wait3A_69 = arith.constant 0 : i32
    %dma_wait3A_70 = tpu.memref_slice %arg4[%add3A_66, %dma_wait3A_69] : memref<204800x128xf32, #tpu.memory_space<hbm>> -> memref<128x128xf32, #tpu.memory_space<hbm>>
    tpu.wait_dma2 semaphore(%arg20 : memref<!tpu.dma_semaphore, #tpu.memory_space<semaphore_mem>>) src(%arg10 : memref<128x128xf32, #tpu.memory_space<vmem>>) dst(%dma_wait3A_70 : memref<128x128xf32, #tpu.memory_space<hbm>>)
    return
  }
}

</mosaic_0001>

<sc_bundles>
// kernel: kernel.3.cloned.1.call-start
scs
__scs_entry_jumppad:
0x0: {  	(pc) =	sbr.rel $0x88, $3  }
0x1: {  	(tag) =	ssettag $0x0;
	lr =	simm.s32 $0x1  }
0x2: {  	[smem:$0x3F9F] =	sst lr;
	_ =	strace $0xD0000000  }
0x3: {  	_ = 	snop  }
0x4: {  	_ = 	snop  }
0x5: {  	_ = 	snop  }
0x6: {  	_ = 	snop  }
0x7: {  	_ = 	snop  }
__scs_overlays_trampoline_lowered:
0x8: {  	[smem:$0x3FAE] =	sst s0  }
0x9: {  	[smem:$0x3FAF] =	sst s1  }
0xa: {  	[smem:$0x3FB0] =	sst s2  }
0xb: {  	[smem:$0x3FB1] =	sst s3  }
0xc: {  	[smem:$0x3FB2] =	sst s4  }
0xd: {  	[smem:$0x3FB3] =	sst s5  }
0xe: {  	[smem:$0x3FB4] =	sst s6  }
0xf: {  	[smem:$0x3FB5] =	sst s7  }
0x10: {  	[smem:$0x3FB6] =	sst s8  }
0x11: {  	[smem:$0x3FB7] =	sst s9;
	s0 =	simm.s32 @!p0 $0x0  }
0x12: {  	s1 =	sld [smem:$0x3F9D];
	s0 =	simm.s32 @p0 $0x1  }
0x13: {  	[smem:$0x3FB8] =	sst s0;
	s0 =	simm.s32 @!p1 $0x0  }
0x14: {  	s2 =	sld [smem:$0x3F9C];
	s0 =	simm.s32 @p1 $0x1  }
0x15: {  	[smem:$0x3FB9] =	sst s0;
	s0 =	simm.s32 @!p2 $0x0  }
0x16: {  	s3 =	sld [smem:$0x3FDB];
	s0 =	simm.s32 @p2 $0x1  }
0x17: {  	s4 =	simm.s32 $0x1BF5;
	[smem:$0x3FBB] =	sst s0  }
0x18: {  	s0 =	sld [smem:$0x3F9E];
	_ =	swait.ge [sflag:s4], $0x0  }
0x19: {  	s7 =	sld [smem:$0x3F9F]  }
0x1a: {  	s8 =	sadd.s32 $0xFFFFE003, lr  }
0x1b: {  	s9 =	sadd.s32 $0xFFFFFEF7, lr;
	s5 =	simm.s32 $0xFFFFFFFF;
	p2 =	slt.u32 s8, $0xFFFFF086  }
0x1c: {  	p1 =	slt.u32 s9, $0xF7A;
	s5 =	simm.s32 @!p2 $0x0  }
0x1d: {  	s5 =	simm.s32 @p1 $0x1;
	p0 =	seq.s32 s7, s2  }
0x1e: {  	s7 =	smul.u32 @!p0 $0xF7A, s2;
	p2 =	seq.s32 @!p0 s5, $0x0  }
0x1f: {  	s9 =	smul.u32 $0xF7A, s1;
	s8 =	simm.s32 @!p0 $0x1BF5;
	p2 =	por !p2, p0  }
0x20: {  	[sflag:s8] =	ssyncset.s32 @!p0 $0xFFFFF086;
	s6 =	sadd.s32 @!p0 s3, s7;
	s7 =	simm.s32 @!p0 $0x108  }
0x21: {  	s3 =	sadd.s32 s3, s9;
	s6 =	sadd.s32 @!p0 $0x88, s6;
	s7 =	simm.s32 @p2 $0x1082  }
0x22: {  	[simem:s7], [sflag:s8] =	dma.local @!p0 [hbm:s6], $0xF7A  }
0x23: {  	s9 =	sor.u32 $0xD0000000, s2;
	s6 =	simm.s32 $0x108;
	_ =	swait.ge @!p0 [sflag:s8], $0x0  }
0x24: {  	s3 =	sadd.s32 $0x88, s3;
	s6 =	simm.s32 @!p1 $0x1082;
	[sflag:s4] =	ssyncset.s32 $0xFFFFF086  }
0x25: {  	[simem:s6], [sflag:s4] =	dma.local [hbm:s3], $0xF7A  }
0x26: {  	[smem:$0x3F9F] =	sst s1;
	(tag) =	ssettag s2;
	_ =	strace s9  }
0x27: {  	s1 =	sld [smem:$0x3FAF]  }
0x28: {  	s2 =	sld [smem:$0x3FB0]  }
0x29: {  	s4 =	sld [smem:$0x3FB2]  }
0x2a: {  	p0 =	seq.s32 s5, $0x0;
	s5 =	sld [smem:$0x3FB3]  }
0x2b: {  	s6 =	sld [smem:$0x3FB4]  }
0x2c: {  	s7 =	sld [smem:$0x3FB5]  }
0x2d: {  	s3 =	simm.s32 $0x108;
	s8 =	sld [smem:$0x3FB6]  }
0x2e: {  	s3 =	simm.s32 @!p0 $0x1082;
	s9 =	sld [smem:$0x3FB7]  }
0x2f: {  	lr =	sadd.s32 s0, s3;
	s0 =	sld [smem:$0x3FAE]  }
0x30: {  	s3 =	sld [smem:$0x3FB1]  }
0x31: {  	[smem:$0x3FBA] =	sst s10  }
0x32: {  	s10 =	sld [smem:$0x3FB8];
	_ =	sdelay $0x3  }
0x33: {  	p0 =	seq.s32 s10, $0x1;
	s10 =	sld [smem:$0x3FBA];
	_ =	sdelay $0x3  }
0x34: {  	[smem:$0x3FBA] =	sst s10  }
0x35: {  	s10 =	sld [smem:$0x3FB9];
	_ =	sdelay $0x3  }
0x36: {  	p1 =	seq.s32 s10, $0x1;
	s10 =	sld [smem:$0x3FBA];
	_ =	sdelay $0x3  }
0x37: {  	[smem:$0x3FBA] =	sst s10  }
0x38: {  	s10 =	sld [smem:$0x3FBB]  }
0x39: {  	_ = 	snop;
	(pc) =	sbr.ind lr, $3  }
0x3a: {  	_ = 	snop  }
0x3b: {  	_ = 	snop  }
0x3c: {  	p2 =	seq.s32 s10, $0x1;
	s10 =	sld [smem:$0x3FBA]  }
0x3d: {  	_ =	shalt  }
0x3e: {  	_ =	shalt  }
0x3f: {  	_ =	shalt  }
0x40: {  	_ =	shalt  }
0x41: {  	_ =	shalt  }
0x42: {  	_ =	shalt  }
0x43: {  	_ =	shalt  }
0x44: {  	_ =	shalt  }
0x45: {  	_ =	shalt  }
0x46: {  	_ =	shalt  }
0x47: {  	_ =	shalt  }
0x48: {  	_ =	shalt  }
0x49: {  	_ =	shalt  }
0x4a: {  	_ =	shalt  }
0x4b: {  	_ =	shalt  }
0x4c: {  	_ =	shalt  }
0x4d: {  	_ =	shalt  }
0x4e: {  	_ =	shalt  }
0x4f: {  	_ =	shalt  }
0x50: {  	_ =	shalt  }
0x51: {  	_ =	shalt  }
0x52: {  	_ =	shalt  }
0x53: {  	_ =	shalt  }
0x54: {  	_ =	shalt  }
0x55: {  	_ =	shalt  }
0x56: {  	_ =	shalt  }
0x57: {  	_ =	shalt  }
0x58: {  	_ =	shalt  }
0x59: {  	_ =	shalt  }
0x5a: {  	_ =	shalt  }
0x5b: {  	_ =	shalt  }
0x5c: {  	_ =	shalt  }
0x5d: {  	_ =	shalt  }
0x5e: {  	_ =	shalt  }
0x5f: {  	_ =	shalt  }
0x60: {  	_ =	shalt  }
0x61: {  	_ =	shalt  }
0x62: {  	_ =	shalt  }
0x63: {  	_ =	shalt  }
0x64: {  	_ =	shalt  }
0x65: {  	_ =	shalt  }
0x66: {  	_ =	shalt  }
0x67: {  	_ =	shalt  }
0x68: {  	_ =	shalt  }
0x69: {  	_ =	shalt  }
0x6a: {  	_ =	shalt  }
0x6b: {  	_ =	shalt  }
0x6c: {  	_ =	shalt  }
0x6d: {  	_ =	shalt  }
0x6e: {  	_ =	shalt  }
0x6f: {  	_ =	shalt  }
0x70: {  	_ =	shalt  }
0x71: {  	_ =	shalt  }
0x72: {  	_ =	shalt  }
0x73: {  	_ =	shalt  }
0x74: {  	_ =	shalt  }
0x75: {  	_ =	shalt  }
0x76: {  	_ =	shalt  }
0x77: {  	_ =	shalt  }
0x78: {  	_ =	shalt  }
0x79: {  	_ =	shalt  }
0x7a: {  	_ =	shalt  }
0x7b: {  	_ =	shalt  }
0x7c: {  	_ =	shalt  }
0x7d: {  	_ =	shalt  }
0x7e: {  	_ =	shalt  }
0x7f: {  	_ =	shalt  }
0x80: {  	_ =	shalt  }
0x81: {  	_ =	shalt  }
0x82: {  	_ =	shalt  }
0x83: {  	_ =	shalt  }
0x84: {  	_ =	shalt  }
0x85: {  	_ =	shalt  }
0x86: {  	_ =	shalt  }
0x87: {  	_ =	shalt  }
.Lfunc_end0:
.L_simem_size_0:
called_computation_lowered:
.L_overlay_start_0:
0x88: {  	s2 =	sld [smem:$0x3FD9]  }
0x89: {  	s3 =	sld [smem:$0x3FFE];
	_ =	sdelay $0x1  }
0x8a: {  	s1 =	srdreg.scid  }
0x8b: {  	s0 =	sand.u32 $0x1, s1  }
0x8c: {  	s17 =	sshll.u32 s0, $0xA;
	s2 =	sadd.s32 s3, s2  }
0x8d: {  	s2 =	sadd.s32 s2, s17  }
0x8e: {  	[smem:$0x3FC6] =	sst s2  }
0x8f: {  	_ = 	snop  }
0x90: {  	s2 =	sld [smem:$0x3FC8]  }
0x91: {  	s18 =	sld [smem:$0x3FD0];
	(tm) =	ssettm $0x1  }
0x92: {  	s4 =	sld [smem:$0x3FFB];
	_ =	sdelay $0x3  }
0x93: {  	_ =	strace s4  }
0x94: {  	s4 =	sld [smem:$0x3FFC];
	_ =	sdelay $0x3  }
0x95: {  	_ =	strace s4  }
0x96: {  	s4 =	sld [smem:$0x3FFD];
	_ =	sdelay $0x3  }
0x97: {  	_ =	strace s4  }
0x98: {  	_ =	strace $0x8FFFFFFF  }
0x99: {  	s19 =	sld [smem:$0x3FDB];
	_ =	sdelay $0x1  }
0x9a: {  	s5 =	simm.s32 $_scs_section_size  }
0x9b: {  	s6 =	simm.s32 $_size__tile_overlayer_lowered;
	s7 =	simm.s32 $_tile_overlayer_lowered  }
0x9c: {  	s22 =	simm.s32 $0x1BFF;
	s21 =	sshll.u32 s7, $0x1;
	s4 =	sadd.s32 s5, s19  }
0x9d: {  	s8 =	simm.s32 $0x0;
	s20 =	sshll.u32 s6, $0x1;
	s6 =	sadd.s32 s21, s4  }
0x9e: {  	[timem:s8], [sflag:s22] =	dma.local [hbm:s6], s20  }
0x9f: {  	_ =	swait.ge [sflag:s22], s20  }
0xa0: {  	s5 =	ssub.s32 $0x0, s20;
	[sflag:s22] =	ssyncset.done $0x0  }
0xa1: {  	[sflag:s22] =	ssyncadd.s32 s5;
	_ =	sdelay $0x1  }
0xa2: {  	s23 =	simm.s32 $0x1B8B  }
0xa3: {  	_ =	swait.ge [sflag:s23], $0x1  }
0xa4: {  	[sflag:s23] =	ssyncset.done $0x0  }
0xa5: {  	s25 =	simm.s32 $0x1B8E;
	s24 =	sld [smem:$0x3FFE];
	[sflag:s23] =	ssyncadd.s32 $0xFFFFFFFF  }
0xa6: {  	s26 =	simm.s32 $execute0_lowered;
	[smem:$0x3FD2] =	sst s25  }
0xa7: {  	s6 =	sshll.u32 s26, $0x1;
	_ =	strace $0x80000046;
	[dreg:$0x1] =	wrdreg $0xFFFFFFFF  }
0xa8: {  	s28 =	simm.s32 $_size_execute0_lowered;
	s4 =	sadd.s32 s4, s6;
	[dreg:$0x0] =	wrdreg $0x0  }
0xa9: {  	s6 =	sshll.u32 s28, $0x1;
	[dreg:$0x2] =	wrdreg s4  }
0xaa: {  	[dreg:$0x3] =	wrdreg s6  }
0xab: {  	[dreg:$0x4] =	wrdreg $0xC0  }
0xac: {  	_ =	task [dreg:s8], $0x5FFFF  }
0xad: {  	[dreg:$0x1] =	wrdreg $0xFFFFFFFF  }
0xae: {  	[dreg:$0x0] =	wrdreg $0x60  }
0xaf: {  	[dreg:$0x2] =	wrdreg s24  }
0xb0: {  	[dreg:$0x3] =	wrdreg s2  }
0xb1: {  	[dreg:$0x4] =	wrdreg s18  }
0xb2: {  	[dreg:$0x5] =	wrdreg $0x9  }
0xb3: {  	_ =	task.clear_ibuf [dreg:s8], $0x6FFFF;
	_ =	strace $0x90000046  }
0xb4: {  	s29 =	simm.s32 $0x9;
	_ =	strace $0x80000048  }
0xb5: {  	_ =	swait.ge [sflag:s29], $0x1  }
0xb6: {  	[sflag:s29] =	ssyncadd.s32 $0xFFFFFFFF  }
0xb7: {  	_ =	strace $0x90000048  }
0xb8: {  	_ =	sfence  }
0xb9: {  	s30 =	sld [smem:$0x0];
	_ =	sdelay $0x2  }
0xba: {  	s31 =	sshll.u32 s1, $0xD;
	s1 =	sshrl.u32 s1, $0x2  }
0xbb: {  	s3 =	sand.u32 $0x4000, s31;
	s1 =	sadd.s32 s1, s30  }
0xbc: {  	s0 =	sor.u32 s3, s0;
	s1 =	sshll.u32 s1, $0x11  }
0xbd: {  	s0 =	sor.u32 s1, s0  }
0xbe: {  	s0 =	sadd.s32 $0x8F2B, s0  }
0xbf: {  	[sflag:s0] =	ssyncadd.remote.s32 $0x1  }
0xc0: {  	_ =	sfence.sel $0xFFFF  }
0xc1: {  	[dreg:$0x0] =	wrdreg $0xFFFFFFFF;
	(pc) =	sbr.abs _section_cstart, $3  }
0xc2: {  	[dreg:$0x1] =	wrdreg $0xFFFFFFFF  }
0xc3: {  	_ =	task.clear_ibuf [dreg:s8], $0x2FFFF;
	_ =	strace $0x9FFFFFFF  }
0xc4: {  	(tm) =	ssettm $0x7FFFFFFF  }
0xc5: {  	_ =	shalt  }
tec
execute0_lowered:
.L_overlay_start_1:
0x0: {  	(tag) =	ssettag $0x1  }
0x1: {  	s0 =	srdreg.scid;
	s1 =	rddreg [dreg:$0x0]  }
0x2: {  	s10 =	stileid.u32;
	s2 =	rddreg [dreg:$0x1]  }
0x3: {  	s5 =	rddreg [dreg:$0x2];
	s11 =	simm.s32 $0xB;
	s12 =	simm.s32 $0x80  }
0x4: {  	s13 =	simm.s32 $0x1900;
	s14 =	simm.s32 $0x5900;
	s16 =	simm.s32 $0x9900  }
0x5: {  	s18 =	simm.s32 $0xD900;
	s20 =	simm.s32 $0x11900;
	s21 =	simm.s32 $0x1  }
0x6: {  	s28 =	simm.s32 $0x7;
	s29 =	simm.s32 $0x8;
	s6 =	smul.u32 $0x3200, s10  }
0x7: {  	s0 =	sand.u32 $0x1, s0;
	s3 =	sshll.u32 s10, $0x1;
	s24 =	smul.u32 $0x32000, s10  }
0x8: {  	s30 =	simm.s32 $0x9;
	s3 =	sor.u32 s0, s3;
	s8 =	smul.u32 $0x1900, s0  }
0x9: {  	s31 =	simm.s32 $0xA;
	s7 =	ssub.s32 $0x2, s0;
	s4 =	smul.u32 $0x1900, s3  }
0xa: {  	s0 =	smul.u32 $0x19000, s0;
	s3 =	simm.s32 $0x0;
	s9 =	sshrl.u32 s7, $0x1  }
0xb: {  	[smem:$0x7FF] =	sst s3;
	s22 =	ssub.s32 s7, s9;
	s4 =	sshrl.u32 s4, $0x3  }
0xc: {  	s6 =	sadd.s32 s8, s6;
	s1 =	sadd.s32 s4, s1;
	s4 =	smax.u32 s22, $0x1  }
0xd: {  	_ =	strace $0x80000047;
	s1 =	sadd.s32 $0x400, s1;
	[dreg:$0x5] =	wrdreg s4  }
0xe: {  	s23 =	sshll.u32 s6, $0x4;
	s22 =	simm.s32 $0x2;
	[dreg:$0x4] =	wrdreg s1  }
.Ltmp0:
0xf: {  	s1 =	sadd.s32 s23, s5;
	s5 =	sadd.s32 s24, s5;
	(pc) =	sbr.rel .LBB2_1-.Ltmp0, $4  }
0x10: {  	s23 =	simm.s32 $0x3;
	s24 =	simm.s32 $0x4;
	s25 =	sadd.s32 $0x2000, s1  }
0x11: {  	s26 =	sadd.s32 $0x1800, s1;
	s17 =	sadd.s32 $0x1000, s1;
	s15 =	sadd.s32 $0x800, s1  }
0x12: {  	s0 =	sadd.s32 s0, s5;
	s1 =	simm.s32 $0x0;
	[dreg:$0x6] =	wrdreg s25  }
0x13: {  	[dreg:$0x7] =	wrdreg s26;
	s25 =	simm.s32 $0x5;
	s26 =	simm.s32 $0x6  }
.LBB2_4:
0x14: {  	_ =	swait.ge [sflag:s28], $0x4000  }
0x15: {  	[sflag:s28] =	ssyncset.done $0x0  }
0x16: {  	[sflag:s28] =	ssyncadd.s32 $0xFFFFC000  }
0x17: {  	_ =	swait.ge [sflag:s29], $0x4000  }
0x18: {  	[sflag:s29] =	ssyncset.done $0x0  }
0x19: {  	[sflag:s29] =	ssyncadd.s32 $0xFFFFC000  }
0x1a: {  	_ =	swait.ge [sflag:s30], $0x4000  }
0x1b: {  	[sflag:s30] =	ssyncset.done $0x0  }
0x1c: {  	[sflag:s30] =	ssyncadd.s32 $0xFFFFC000  }
0x1d: {  	_ =	swait.ge [sflag:s31], $0x4000  }
0x1e: {  	s1 =	sadd.s32 $0x1, s1;
	s4 =	rddreg [dreg:$0x5]  }
0x1f: {  	p0 =	sne.s32 s1, s4  }
.Ltmp1:
0x20: {  	_ = 	snop;
	(pc) =	sbr.rel @!p0 .LBB2_5-.Ltmp1, $3  }
0x21: {  	_ =	sdelay $0x1  }
0x22: {  	[sflag:s31] =	ssyncset.done $0x0  }
0x23: {  	[sflag:s31] =	ssyncadd.s32 $0xFFFFC000  }
.LBB2_1:
0x24: {  	s4 =	rddreg [dreg:$0x4]  }
0x25: {  	[tilespmem:s3], [sflag:$0xB] =	stream.linear.gather [hbm4b:s4+s3], $0x1900, $0x38;
	[tilespmem:$0x15900] =	vst v63  }
0x26: {  	_ =	swait.ge [sflag:s11], $0x1900  }
0x27: {  	[sflag:s11] =	ssyncset.done $0x0  }
0x28: {  	[sflag:s11] =	ssyncadd.s32 $0xFFFFE700  }
0x29: {  	[tilespmem:s13], [sflag:$0x1] =	stream.indirect.gather [hbm4b:s2+s12], $0x80, s3, s12, $0xb8;
	[tilespmem:$0x15900] =	vst v63  }
0x2a: {  	_ = 	snop  }
0x2b: {  	[tilespmem:s14], [sflag:$0x2] =	stream.indirect.gather [hbm4b:s2+s12], $0x80, s12, s12, $0xb8;
	[tilespmem:$0x15900] =	vst v63  }
0x2c: {  	s9 =	simm.s32 $0x100;
	s10 =	simm.s32 $0x180;
	s19 =	simm.s32 $0x200  }
0x2d: {  	[tilespmem:s16], [sflag:$0x3] =	stream.indirect.gather [hbm4b:s2+s12], $0x80, s9, s12, $0xb8;
	[tilespmem:$0x15900] =	vst v63  }
0x2e: {  	s8 =	smov.u32 s17;
	s5 =	simm.s32 $0x0;
	s7 =	rddreg [dreg:$0x7]  }
0x2f: {  	[tilespmem:s18], [sflag:$0x4] =	stream.indirect.gather [hbm4b:s2+s12], $0x80, s10, s12, $0xb8;
	[tilespmem:$0x15900] =	vst v63  }
0x30: {  	s6 =	rddreg [dreg:$0x6];
	s9 =	smov.u32 s15;
	s10 =	smov.u32 s0  }
0x31: {  	[tilespmem:s20], [sflag:$0x5] =	stream.indirect.gather [hbm4b:s2+s12], $0x80, s19, s12, $0xb8;
	[tilespmem:$0x15900] =	vst v63  }
.LBB2_2:
0x32: {  	_ =	swait.ge [sflag:s21], $0x4000  }
0x33: {  	[sflag:s21] =	ssyncset.done $0x0  }
0x34: {  	[sflag:s21] =	ssyncadd.s32 $0xFFFFC000  }
0x35: {  	[hbm4b:s10+s3] =	stream.linear.scatter [tilespmem:s13], [sflag:$0x6], $0x4000, $0x38;
	[tilespmem:$0x15900] =	vst v63  }
0x36: {  	_ =	swait.ge [sflag:s22], $0x4000  }
0x37: {  	[sflag:s22] =	ssyncset.done $0x0  }
0x38: {  	[sflag:s22] =	ssyncadd.s32 $0xFFFFC000  }
0x39: {  	[hbm4b:s9+s3] =	stream.linear.scatter [tilespmem:s14], [sflag:$0x7], $0x4000, $0x38;
	[tilespmem:$0x15900] =	vst v63  }
0x3a: {  	_ =	swait.ge [sflag:s23], $0x4000  }
0x3b: {  	[sflag:s23] =	ssyncset.done $0x0  }
0x3c: {  	[sflag:s23] =	ssyncadd.s32 $0xFFFFC000  }
0x3d: {  	[hbm4b:s8+s3] =	stream.linear.scatter [tilespmem:s16], [sflag:$0x8], $0x4000, $0x38;
	[tilespmem:$0x15900] =	vst v63  }
0x3e: {  	_ =	swait.ge [sflag:s24], $0x4000  }
0x3f: {  	[sflag:s24] =	ssyncset.done $0x0  }
0x40: {  	[sflag:s24] =	ssyncadd.s32 $0xFFFFC000  }
0x41: {  	[hbm4b:s7+s3] =	stream.linear.scatter [tilespmem:s18], [sflag:$0x9], $0x4000, $0x38;
	[tilespmem:$0x15900] =	vst v63  }
0x42: {  	_ =	swait.ge [sflag:s25], $0x4000  }
0x43: {  	p0 =	seq.s32 s5, $0x5A00;
	[sflag:s25] =	ssyncset.done $0x0  }
.Ltmp2:
0x44: {  	[sflag:s25] =	ssyncadd.s32 $0xFFFFC000;
	(pc) =	sbr.rel @p0 .LBB2_4-.Ltmp2, $4  }
0x45: {  	[hbm4b:s6+s3] =	stream.linear.scatter [tilespmem:s20], [sflag:$0xA], $0x4000, $0x38;
	[tilespmem:$0x15900] =	vst v63  }
0x46: {  	_ =	swait.ge [sflag:s26], $0x4000  }
0x47: {  	[sflag:s26] =	ssyncset.done $0x0  }
0x48: {  	[sflag:s26] =	ssyncadd.s32 $0xFFFFC000  }
0x49: {  	s4 =	sshra.s32 s5, $0x2  }
0x4a: {  	s19 =	sadd.s32 $0x280, s4  }
0x4b: {  	[tilespmem:s13], [sflag:$0x1] =	stream.indirect.gather [hbm4b:s2+s12], $0x80, s19, s12, $0xb8;
	[tilespmem:$0x15900] =	vst v63  }
0x4c: {  	_ =	swait.ge [sflag:s28], $0x4000  }
0x4d: {  	[sflag:s28] =	ssyncset.done $0x0  }
0x4e: {  	s19 =	sadd.s32 $0x300, s4;
	[sflag:s28] =	ssyncadd.s32 $0xFFFFC000  }
0x4f: {  	[tilespmem:s14], [sflag:$0x2] =	stream.indirect.gather [hbm4b:s2+s12], $0x80, s19, s12, $0xb8;
	[tilespmem:$0x15900] =	vst v63  }
0x50: {  	_ =	swait.ge [sflag:s29], $0x4000  }
0x51: {  	[sflag:s29] =	ssyncset.done $0x0  }
0x52: {  	s19 =	sadd.s32 $0x380, s4;
	[sflag:s29] =	ssyncadd.s32 $0xFFFFC000  }
0x53: {  	[tilespmem:s16], [sflag:$0x3] =	stream.indirect.gather [hbm4b:s2+s12], $0x80, s19, s12, $0xb8;
	[tilespmem:$0x15900] =	vst v63  }
0x54: {  	_ =	swait.ge [sflag:s30], $0x4000  }
0x55: {  	[sflag:s30] =	ssyncset.done $0x0  }
0x56: {  	s19 =	sadd.s32 $0x400, s4;
	[sflag:s30] =	ssyncadd.s32 $0xFFFFC000  }
0x57: {  	[tilespmem:s18], [sflag:$0x4] =	stream.indirect.gather [hbm4b:s2+s12], $0x80, s19, s12, $0xb8;
	[tilespmem:$0x15900] =	vst v63  }
.Ltmp3:
0x58: {  	s5 =	sadd.s32 $0xA00, s5;
	(pc) =	sbr.rel .LBB2_2-.Ltmp3, $4  }
0x59: {  	s6 =	sadd.s32 $0x2800, s6;
	s7 =	sadd.s32 $0x2800, s7;
	_ =	swait.ge [sflag:s31], $0x4000  }
0x5a: {  	s8 =	sadd.s32 $0x2800, s8;
	s9 =	sadd.s32 $0x2800, s9;
	[sflag:s31] =	ssyncset.done $0x0  }
0x5b: {  	s10 =	sadd.s32 $0x2800, s10;
	s4 =	sadd.s32 $0x480, s4;
	[sflag:s31] =	ssyncadd.s32 $0xFFFFC000  }
0x5c: {  	[tilespmem:s20], [sflag:$0x5] =	stream.indirect.gather [hbm4b:s2+s12], $0x80, s4, s12, $0xb8;
	[tilespmem:$0x15900] =	vst v63  }
.LBB2_5:
0x5d: {  	_ =	sfence.sel $0x180000  }
0x5e: {  	[bflag:$0x0] =	sbarrier.arrive $0xFFFF  }
0x5f: {  	_ =	strace $0x90000047  }
0x60: {  	s0 =	stileid.u32;
	[bflag:$0x2] =	sbarrier.arrive $0xFFFF  }
0x61: {  	p0 =	sne.s32 s0, $0x0;
	s0 =	rddreg [dreg:$0x3]  }
0x62: {  	s0 =	sadd.s32 @!p0 $0x100000, s0  }
0x63: {  	[sflag:s0] =	ssyncadd.tile.s32 @!p0 $0x1;
	_ =	shalt  }
.Lfunc_end2:
_tile_overlayer_lowered:
.L_overlay_start_2:
0x64: {  	(tag) =	ssettag $0x2  }
0x65: {  	s0 =	rddreg [dreg:$0x0];
	s2 =	stileid.u32  }
0x66: {  	s1 =	rddreg [dreg:$0x1];
	p0 =	sne.s32 s2, $0x0  }
0x67: {  	s3 =	rddreg [dreg:$0x2];
	[bflag:$0x3] =	sbarrier.arrive $0xFFFF;
	s2 =	simm.s32 @!p0 $0x1C0B  }
0x68: {  	[timem:s3], [sflag:s2] =	dma.local @!p0 [hbm:s0], s1  }
0x69: {  	s0 =	simm.s32 @!p0 $0xB  }
0x6a: {  	_ =	swait.ge @!p0 [sflag:s0], s1  }
0x6b: {  	s1 =	ssub.s32 @!p0 $0x0, s1;
	[sflag:s0] =	ssyncset.done @!p0 $0x0  }
0x6c: {  	[sflag:s0] =	ssyncadd.s32 @!p0 s1  }
0x6d: {  	[bflag:$0x3] =	sbarrier.arrive $0xFFFF  }
0x6e: {  	_ =	shalt  }

</sc_bundles>
